<compile_context>
chip_gen: v7x
topology: tpu7x:2x2x1
jax: 0.10.2.dev20260603
libtpu: 0.0.44.dev20260713+nightly
codegen_flags: <defaults>
</compile_context>

<pallas_src>
import functools

import jax
import jax.numpy as jnp
from jax.experimental import pallas as pl
from jax.experimental.pallas import tpu as pltpu

_THRESHOLD = 0.5


def _tile_kernel(logit_ref, center_ref, out3_ref, cls_ref, mask_ref,
                 logit_t_ref, center_t_ref, out3_t_ref, *, hb, w, c, h):
    logit_t_ref[...] = logit_ref[...].T
    center_t_ref[...] = center_ref[...].T

    m = logit_t_ref[pl.ds(0, w, c), :]
    cls = jnp.zeros(m.shape, dtype=jnp.int32)
    s = jnp.exp(m)
    for k in range(1, c):
        xk = logit_t_ref[pl.ds(k, w, c), :]
        gt = xk > m
        m = jnp.where(gt, xk, m)
        cls = jnp.where(gt, k, cls)
        s = s + jnp.exp(xk)
    score = jnp.exp(m) / s
    mask = score > _THRESHOLD
    mf = mask.astype(jnp.float32)

    row0 = (pl.program_id(0) * hb) % h
    yy = (jax.lax.broadcasted_iota(jnp.int32, (w, hb), 1) + row0).astype(jnp.float32)
    xx = jax.lax.broadcasted_iota(jnp.int32, (w, hb), 0).astype(jnp.float32)

    out3_t_ref[pl.ds(0, w, 3), :] = jnp.where(mask, score, 0.0)
    out3_t_ref[pl.ds(1, w, 3), :] = (yy + center_t_ref[pl.ds(0, w, 2), :]) * mf
    out3_t_ref[pl.ds(2, w, 3), :] = (xx + center_t_ref[pl.ds(1, w, 2), :]) * mf

    out3_ref[...] = out3_t_ref[...].T
    cls_ref[...] = cls.T
    mask_ref[...] = mask.T


def kernel(segm_logit, center_point):
    B, H, W, C = segm_logit.shape
    HB = 128
    grid = (B * H // HB,)
    out3, cls, mask = pl.pallas_call(
        functools.partial(_tile_kernel, hb=HB, w=W, c=C, h=H),
        grid=grid,
        in_specs=[
            pl.BlockSpec((HB, W * C), lambda i: (i, 0)),
            pl.BlockSpec((HB, W * 2), lambda i: (i, 0)),
        ],
        out_specs=[
            pl.BlockSpec((HB, W * 3), lambda i: (i, 0)),
            pl.BlockSpec((HB, W), lambda i: (i, 0)),
            pl.BlockSpec((HB, W), lambda i: (i, 0)),
        ],
        out_shape=[
            jax.ShapeDtypeStruct((B * H, W * 3), jnp.float32),
            jax.ShapeDtypeStruct((B * H, W), jnp.int32),
            jax.ShapeDtypeStruct((B * H, W), jnp.bool_),
        ],
        scratch_shapes=[
            pltpu.VMEM((W * C, HB), jnp.float32),
            pltpu.VMEM((W * 2, HB), jnp.float32),
            pltpu.VMEM((W * 3, HB), jnp.float32),
        ],
        compiler_params=pltpu.CompilerParams(
            dimension_semantics=("arbitrary",),
        ),
    )(segm_logit.reshape(B * H, W * C), center_point.reshape(B * H, W * 2))
    return (
        out3.reshape(B, H, W, 3),
        cls.reshape(B, H, W).astype(jnp.int64),
        mask.reshape(B, H, W),
    )

# --- scband reference (transcript-rebuilt; emitter-appended) ---
"""Pipeline reference for scband-line-string-instance-generator-61246233641020 (READ-ONLY COPY).

The authoritative reference and input builder live on the scoring server;
editing this copy changes nothing except your own understanding.
"""

import jax, jax.numpy as jnp
import numpy as np

THRESHOLD = 0.5


def setup_inputs(seed: int = 0) -> dict:
    key = jax.random.key(seed)
    k1, k2 = jax.random.split(key)
    segm_logit = jax.random.normal(k1, (8, 384, 384, 16), dtype=jnp.float32)
    center_point = jax.random.normal(k2, (8, 384, 384, 2), dtype=jnp.float32)
    return {"segm_logit": segm_logit, "center_point": center_point}


def reference(segm_logit, center_point):
    # Faithful dense translation of LineStringInstanceGenerator.forward.
    # The torch module produces variable-length per-batch lists of LineStrings;
    # here we compute the same quantities densely with a boolean validity mask
    # (standard jit-friendly formulation of nonzero-based selection).
    B, H, W, C = segm_logit.shape
    # _select_by_argmax: softmax over classes, per-pixel max score/class, threshold
    prob = jax.nn.softmax(segm_logit, axis=-1)
    max_scores = jnp.max(prob, axis=-1)            # (B,H,W)
    max_cls = jnp.argmax(prob, axis=-1)            # (B,H,W)
    mask = max_scores > THRESHOLD                  # (B,H,W) -- validity of each detected point
    # _make_lines: start_point = [y, x] + center_offset at each selected pixel
    ys = jnp.arange(H, dtype=center_point.dtype)
    xs = jnp.arange(W, dtype=center_point.dtype)
    yy, xx = jnp.meshgrid(ys, xs, indexing="ij")
    grid = jnp.stack([yy, xx], axis=-1)            # (H,W,2) integer (y,x) coords
    start_points = grid[None, :, :, :] + center_point  # (B,H,W,2)
    m = mask[..., None].astype(center_point.dtype)
    masked_scores = jnp.where(mask, max_scores, jnp.zeros_like(max_scores))
    masked_start = start_points * m
    # pack score + start point per pixel; invalid pixels zeroed by mask
    out3 = jnp.concatenate([masked_scores[..., None], masked_start], axis=-1)  # (B,H,W,3)
    return (out3, max_cls.astype(jnp.int64), mask)

if __name__ == "__main__":
    import jax
    _d = setup_inputs()
    print(jax.jit(kernel)(*tuple(_d.values())))

</pallas_src>

<mosaic_0001>
module attributes {stable_mosaic.version = 14 : i64} {
  func.func @_tile_kernel(%arg0: i32, %arg1: memref<128x6144xf32, #tpu.memory_space<vmem>>, %arg2: memref<128x768xf32, #tpu.memory_space<vmem>>, %arg3: memref<128x1152xf32, #tpu.memory_space<vmem>>, %arg4: memref<128x384xi32, #tpu.memory_space<vmem>>, %arg5: memref<128x384xi32, #tpu.memory_space<vmem>>, %arg6: memref<6144x128xf32, #tpu.memory_space<vmem>>, %arg7: memref<768x128xf32, #tpu.memory_space<vmem>>, %arg8: memref<1152x128xf32, #tpu.memory_space<vmem>>) attributes {dimension_semantics = [#tpu.dimension_semantics<arbitrary>], iteration_bounds = array<i64: 24>, scalar_prefetch = 0 : i64, scratch_operands = 3 : i64, tpu.core_type = #tpu.core_type<tc>, window_params = [{transform_indices = @transform_0, window_bounds = array<i64: 128, 6144>}, {transform_indices = @transform_1, window_bounds = array<i64: 128, 768>}, {transform_indices = @transform_2, window_bounds = array<i64: 128, 1152>}, {transform_indices = @transform_3, window_bounds = array<i64: 128, 384>}, {transform_indices = @transform_4, window_bounds = array<i64: 128, 384>}]} {
    %get3A = arith.constant 0 : index
    %get3A_0 = arith.constant 0 : index
    %get3A_1 = vector.load %arg1[%get3A, %get3A_0] : memref<128x6144xf32, #tpu.memory_space<vmem>>, vector<128x6144xf32>
    %transpose3A = tpu.transpose %get3A_1, [1, 0] : vector<128x6144xf32> -> vector<6144x128xf32>
    %swap3A = arith.constant 0 : index
    %swap3A_2 = arith.constant 0 : index
    %swap3A_3 = vector.load %arg6[%swap3A, %swap3A_2] : memref<6144x128xf32, #tpu.memory_space<vmem>>, vector<6144x128xf32>
    tpu.vector_store %arg6[%swap3A, %swap3A_2], %transpose3A {strides = array<i32>} : memref<6144x128xf32, #tpu.memory_space<vmem>>, vector<6144x128xf32>,
    %get3A_4 = arith.constant 0 : index
    %get3A_5 = arith.constant 0 : index
    %get3A_6 = vector.load %arg2[%get3A_4, %get3A_5] : memref<128x768xf32, #tpu.memory_space<vmem>>, vector<128x768xf32>
    %transpose3A_7 = tpu.transpose %get3A_6, [1, 0] : vector<128x768xf32> -> vector<768x128xf32>
    %swap3A_8 = arith.constant 0 : index
    %swap3A_9 = arith.constant 0 : index
    %swap3A_10 = vector.load %arg7[%swap3A_8, %swap3A_9] : memref<768x128xf32, #tpu.memory_space<vmem>>, vector<768x128xf32>
    tpu.vector_store %arg7[%swap3A_8, %swap3A_9], %transpose3A_7 {strides = array<i32>} : memref<768x128xf32, #tpu.memory_space<vmem>>, vector<768x128xf32>,
    %get3A_11 = arith.constant 0 : index
    %get3A_12 = arith.constant 0 : index
    %get3A_13 = tpu.strided_load %arg6[%get3A_11, %get3A_12] {strides = array<i32: 16, 1>} : memref<6144x128xf32, #tpu.memory_space<vmem>>, vector<384x128xf32>
    %broadcast_in_dim3A = arith.constant 0 : i32
    %broadcast_in_dim3A_14 = vector.broadcast %broadcast_in_dim3A : i32 to vector<384x128xi32>
    %exp3A = math.exp %get3A_13 : vector<384x128xf32>
    %get3A_15 = arith.constant 1 : index
    %get3A_16 = arith.constant 0 : index
    %get3A_17 = tpu.strided_load %arg6[%get3A_15, %get3A_16] {strides = array<i32: 16, 1>} : memref<6144x128xf32, #tpu.memory_space<vmem>>, vector<384x128xf32>
    %gt3A = arith.cmpf ogt, %get3A_17, %get3A_13 : vector<384x128xf32>
    %select_n3A = arith.select %gt3A, %get3A_17, %get3A_13 : vector<384x128xi1>, vector<384x128xf32>
    %jit3A = arith.constant 1 : i32
    %broadcast_in_dim3A_18 = vector.broadcast %jit3A : i32 to vector<384x128xi32>
    %select_n3A_19 = arith.select %gt3A, %broadcast_in_dim3A_18, %broadcast_in_dim3A_14 : vector<384x128xi1>, vector<384x128xi32>
    %exp3A_20 = math.exp %get3A_17 : vector<384x128xf32>
    %add3A = arith.addf %exp3A, %exp3A_20 : vector<384x128xf32>
    %get3A_21 = arith.constant 2 : index
    %get3A_22 = arith.constant 0 : index
    %get3A_23 = tpu.strided_load %arg6[%get3A_21, %get3A_22] {strides = array<i32: 16, 1>} : memref<6144x128xf32, #tpu.memory_space<vmem>>, vector<384x128xf32>
    %gt3A_24 = arith.cmpf ogt, %get3A_23, %select_n3A : vector<384x128xf32>
    %select_n3A_25 = arith.select %gt3A_24, %get3A_23, %select_n3A : vector<384x128xi1>, vector<384x128xf32>
    %jit3A_26 = arith.constant 2 : i32
    %broadcast_in_dim3A_27 = vector.broadcast %jit3A_26 : i32 to vector<384x128xi32>
    %select_n3A_28 = arith.select %gt3A_24, %broadcast_in_dim3A_27, %select_n3A_19 : vector<384x128xi1>, vector<384x128xi32>
    %exp3A_29 = math.exp %get3A_23 : vector<384x128xf32>
    %add3A_30 = arith.addf %add3A, %exp3A_29 : vector<384x128xf32>
    %get3A_31 = arith.constant 3 : index
    %get3A_32 = arith.constant 0 : index
    %get3A_33 = tpu.strided_load %arg6[%get3A_31, %get3A_32] {strides = array<i32: 16, 1>} : memref<6144x128xf32, #tpu.memory_space<vmem>>, vector<384x128xf32>
    %gt3A_34 = arith.cmpf ogt, %get3A_33, %select_n3A_25 : vector<384x128xf32>
    %select_n3A_35 = arith.select %gt3A_34, %get3A_33, %select_n3A_25 : vector<384x128xi1>, vector<384x128xf32>
    %jit3A_36 = arith.constant 3 : i32
    %broadcast_in_dim3A_37 = vector.broadcast %jit3A_36 : i32 to vector<384x128xi32>
    %select_n3A_38 = arith.select %gt3A_34, %broadcast_in_dim3A_37, %select_n3A_28 : vector<384x128xi1>, vector<384x128xi32>
    %exp3A_39 = math.exp %get3A_33 : vector<384x128xf32>
    %add3A_40 = arith.addf %add3A_30, %exp3A_39 : vector<384x128xf32>
    %get3A_41 = arith.constant 4 : index
    %get3A_42 = arith.constant 0 : index
    %get3A_43 = tpu.strided_load %arg6[%get3A_41, %get3A_42] {strides = array<i32: 16, 1>} : memref<6144x128xf32, #tpu.memory_space<vmem>>, vector<384x128xf32>
    %gt3A_44 = arith.cmpf ogt, %get3A_43, %select_n3A_35 : vector<384x128xf32>
    %select_n3A_45 = arith.select %gt3A_44, %get3A_43, %select_n3A_35 : vector<384x128xi1>, vector<384x128xf32>
    %jit3A_46 = arith.constant 4 : i32
    %broadcast_in_dim3A_47 = vector.broadcast %jit3A_46 : i32 to vector<384x128xi32>
    %select_n3A_48 = arith.select %gt3A_44, %broadcast_in_dim3A_47, %select_n3A_38 : vector<384x128xi1>, vector<384x128xi32>
    %exp3A_49 = math.exp %get3A_43 : vector<384x128xf32>
    %add3A_50 = arith.addf %add3A_40, %exp3A_49 : vector<384x128xf32>
    %get3A_51 = arith.constant 5 : index
    %get3A_52 = arith.constant 0 : index
    %get3A_53 = tpu.strided_load %arg6[%get3A_51, %get3A_52] {strides = array<i32: 16, 1>} : memref<6144x128xf32, #tpu.memory_space<vmem>>, vector<384x128xf32>
    %gt3A_54 = arith.cmpf ogt, %get3A_53, %select_n3A_45 : vector<384x128xf32>
    %select_n3A_55 = arith.select %gt3A_54, %get3A_53, %select_n3A_45 : vector<384x128xi1>, vector<384x128xf32>
    %jit3A_56 = arith.constant 5 : i32
    %broadcast_in_dim3A_57 = vector.broadcast %jit3A_56 : i32 to vector<384x128xi32>
    %select_n3A_58 = arith.select %gt3A_54, %broadcast_in_dim3A_57, %select_n3A_48 : vector<384x128xi1>, vector<384x128xi32>
    %exp3A_59 = math.exp %get3A_53 : vector<384x128xf32>
    %add3A_60 = arith.addf %add3A_50, %exp3A_59 : vector<384x128xf32>
    %get3A_61 = arith.constant 6 : index
    %get3A_62 = arith.constant 0 : index
    %get3A_63 = tpu.strided_load %arg6[%get3A_61, %get3A_62] {strides = array<i32: 16, 1>} : memref<6144x128xf32, #tpu.memory_space<vmem>>, vector<384x128xf32>
    %gt3A_64 = arith.cmpf ogt, %get3A_63, %select_n3A_55 : vector<384x128xf32>
    %select_n3A_65 = arith.select %gt3A_64, %get3A_63, %select_n3A_55 : vector<384x128xi1>, vector<384x128xf32>
    %jit3A_66 = arith.constant 6 : i32
    %broadcast_in_dim3A_67 = vector.broadcast %jit3A_66 : i32 to vector<384x128xi32>
    %select_n3A_68 = arith.select %gt3A_64, %broadcast_in_dim3A_67, %select_n3A_58 : vector<384x128xi1>, vector<384x128xi32>
    %exp3A_69 = math.exp %get3A_63 : vector<384x128xf32>
    %add3A_70 = arith.addf %add3A_60, %exp3A_69 : vector<384x128xf32>
    %get3A_71 = arith.constant 7 : index
    %get3A_72 = arith.constant 0 : index
    %get3A_73 = tpu.strided_load %arg6[%get3A_71, %get3A_72] {strides = array<i32: 16, 1>} : memref<6144x128xf32, #tpu.memory_space<vmem>>, vector<384x128xf32>
    %gt3A_74 = arith.cmpf ogt, %get3A_73, %select_n3A_65 : vector<384x128xf32>
    %select_n3A_75 = arith.select %gt3A_74, %get3A_73, %select_n3A_65 : vector<384x128xi1>, vector<384x128xf32>
    %jit3A_76 = arith.constant 7 : i32
    %broadcast_in_dim3A_77 = vector.broadcast %jit3A_76 : i32 to vector<384x128xi32>
    %select_n3A_78 = arith.select %gt3A_74, %broadcast_in_dim3A_77, %select_n3A_68 : vector<384x128xi1>, vector<384x128xi32>
    %exp3A_79 = math.exp %get3A_73 : vector<384x128xf32>
    %add3A_80 = arith.addf %add3A_70, %exp3A_79 : vector<384x128xf32>
    %get3A_81 = arith.constant 8 : index
    %get3A_82 = arith.constant 0 : index
    %get3A_83 = tpu.strided_load %arg6[%get3A_81, %get3A_82] {strides = array<i32: 16, 1>} : memref<6144x128xf32, #tpu.memory_space<vmem>>, vector<384x128xf32>
    %gt3A_84 = arith.cmpf ogt, %get3A_83, %select_n3A_75 : vector<384x128xf32>
    %select_n3A_85 = arith.select %gt3A_84, %get3A_83, %select_n3A_75 : vector<384x128xi1>, vector<384x128xf32>
    %jit3A_86 = arith.constant 8 : i32
    %broadcast_in_dim3A_87 = vector.broadcast %jit3A_86 : i32 to vector<384x128xi32>
    %select_n3A_88 = arith.select %gt3A_84, %broadcast_in_dim3A_87, %select_n3A_78 : vector<384x128xi1>, vector<384x128xi32>
    %exp3A_89 = math.exp %get3A_83 : vector<384x128xf32>
    %add3A_90 = arith.addf %add3A_80, %exp3A_89 : vector<384x128xf32>
    %get3A_91 = arith.constant 9 : index
    %get3A_92 = arith.constant 0 : index
    %get3A_93 = tpu.strided_load %arg6[%get3A_91, %get3A_92] {strides = array<i32: 16, 1>} : memref<6144x128xf32, #tpu.memory_space<vmem>>, vector<384x128xf32>
    %gt3A_94 = arith.cmpf ogt, %get3A_93, %select_n3A_85 : vector<384x128xf32>
    %select_n3A_95 = arith.select %gt3A_94, %get3A_93, %select_n3A_85 : vector<384x128xi1>, vector<384x128xf32>
    %jit3A_96 = arith.constant 9 : i32
    %broadcast_in_dim3A_97 = vector.broadcast %jit3A_96 : i32 to vector<384x128xi32>
    %select_n3A_98 = arith.select %gt3A_94, %broadcast_in_dim3A_97, %select_n3A_88 : vector<384x128xi1>, vector<384x128xi32>
    %exp3A_99 = math.exp %get3A_93 : vector<384x128xf32>
    %add3A_100 = arith.addf %add3A_90, %exp3A_99 : vector<384x128xf32>
    %get3A_101 = arith.constant 10 : index
    %get3A_102 = arith.constant 0 : index
    %get3A_103 = tpu.strided_load %arg6[%get3A_101, %get3A_102] {strides = array<i32: 16, 1>} : memref<6144x128xf32, #tpu.memory_space<vmem>>, vector<384x128xf32>
    %gt3A_104 = arith.cmpf ogt, %get3A_103, %select_n3A_95 : vector<384x128xf32>
    %select_n3A_105 = arith.select %gt3A_104, %get3A_103, %select_n3A_95 : vector<384x128xi1>, vector<384x128xf32>
    %jit3A_106 = arith.constant 10 : i32
    %broadcast_in_dim3A_107 = vector.broadcast %jit3A_106 : i32 to vector<384x128xi32>
    %select_n3A_108 = arith.select %gt3A_104, %broadcast_in_dim3A_107, %select_n3A_98 : vector<384x128xi1>, vector<384x128xi32>
    %exp3A_109 = math.exp %get3A_103 : vector<384x128xf32>
    %add3A_110 = arith.addf %add3A_100, %exp3A_109 : vector<384x128xf32>
    %get3A_111 = arith.constant 11 : index
    %get3A_112 = arith.constant 0 : index
    %get3A_113 = tpu.strided_load %arg6[%get3A_111, %get3A_112] {strides = array<i32: 16, 1>} : memref<6144x128xf32, #tpu.memory_space<vmem>>, vector<384x128xf32>
    %gt3A_114 = arith.cmpf ogt, %get3A_113, %select_n3A_105 : vector<384x128xf32>
    %select_n3A_115 = arith.select %gt3A_114, %get3A_113, %select_n3A_105 : vector<384x128xi1>, vector<384x128xf32>
    %jit3A_116 = arith.constant 11 : i32
    %broadcast_in_dim3A_117 = vector.broadcast %jit3A_116 : i32 to vector<384x128xi32>
    %select_n3A_118 = arith.select %gt3A_114, %broadcast_in_dim3A_117, %select_n3A_108 : vector<384x128xi1>, vector<384x128xi32>
    %exp3A_119 = math.exp %get3A_113 : vector<384x128xf32>
    %add3A_120 = arith.addf %add3A_110, %exp3A_119 : vector<384x128xf32>
    %get3A_121 = arith.constant 12 : index
    %get3A_122 = arith.constant 0 : index
    %get3A_123 = tpu.strided_load %arg6[%get3A_121, %get3A_122] {strides = array<i32: 16, 1>} : memref<6144x128xf32, #tpu.memory_space<vmem>>, vector<384x128xf32>
    %gt3A_124 = arith.cmpf ogt, %get3A_123, %select_n3A_115 : vector<384x128xf32>
    %select_n3A_125 = arith.select %gt3A_124, %get3A_123, %select_n3A_115 : vector<384x128xi1>, vector<384x128xf32>
    %jit3A_126 = arith.constant 12 : i32
    %broadcast_in_dim3A_127 = vector.broadcast %jit3A_126 : i32 to vector<384x128xi32>
    %select_n3A_128 = arith.select %gt3A_124, %broadcast_in_dim3A_127, %select_n3A_118 : vector<384x128xi1>, vector<384x128xi32>
    %exp3A_129 = math.exp %get3A_123 : vector<384x128xf32>
    %add3A_130 = arith.addf %add3A_120, %exp3A_129 : vector<384x128xf32>
    %get3A_131 = arith.constant 13 : index
    %get3A_132 = arith.constant 0 : index
    %get3A_133 = tpu.strided_load %arg6[%get3A_131, %get3A_132] {strides = array<i32: 16, 1>} : memref<6144x128xf32, #tpu.memory_space<vmem>>, vector<384x128xf32>
    %gt3A_134 = arith.cmpf ogt, %get3A_133, %select_n3A_125 : vector<384x128xf32>
    %select_n3A_135 = arith.select %gt3A_134, %get3A_133, %select_n3A_125 : vector<384x128xi1>, vector<384x128xf32>
    %jit3A_136 = arith.constant 13 : i32
    %broadcast_in_dim3A_137 = vector.broadcast %jit3A_136 : i32 to vector<384x128xi32>
    %select_n3A_138 = arith.select %gt3A_134, %broadcast_in_dim3A_137, %select_n3A_128 : vector<384x128xi1>, vector<384x128xi32>
    %exp3A_139 = math.exp %get3A_133 : vector<384x128xf32>
    %add3A_140 = arith.addf %add3A_130, %exp3A_139 : vector<384x128xf32>
    %get3A_141 = arith.constant 14 : index
    %get3A_142 = arith.constant 0 : index
    %get3A_143 = tpu.strided_load %arg6[%get3A_141, %get3A_142] {strides = array<i32: 16, 1>} : memref<6144x128xf32, #tpu.memory_space<vmem>>, vector<384x128xf32>
    %gt3A_144 = arith.cmpf ogt, %get3A_143, %select_n3A_135 : vector<384x128xf32>
    %select_n3A_145 = arith.select %gt3A_144, %get3A_143, %select_n3A_135 : vector<384x128xi1>, vector<384x128xf32>
    %jit3A_146 = arith.constant 14 : i32
    %broadcast_in_dim3A_147 = vector.broadcast %jit3A_146 : i32 to vector<384x128xi32>
    %select_n3A_148 = arith.select %gt3A_144, %broadcast_in_dim3A_147, %select_n3A_138 : vector<384x128xi1>, vector<384x128xi32>
    %exp3A_149 = math.exp %get3A_143 : vector<384x128xf32>
    %add3A_150 = arith.addf %add3A_140, %exp3A_149 : vector<384x128xf32>
    %get3A_151 = arith.constant 15 : index
    %get3A_152 = arith.constant 0 : index
    %get3A_153 = tpu.strided_load %arg6[%get3A_151, %get3A_152] {strides = array<i32: 16, 1>} : memref<6144x128xf32, #tpu.memory_space<vmem>>, vector<384x128xf32>
    %gt3A_154 = arith.cmpf ogt, %get3A_153, %select_n3A_145 : vector<384x128xf32>
    %select_n3A_155 = arith.select %gt3A_154, %get3A_153, %select_n3A_145 : vector<384x128xi1>, vector<384x128xf32>
    %jit3A_156 = arith.constant 15 : i32
    %broadcast_in_dim3A_157 = vector.broadcast %jit3A_156 : i32 to vector<384x128xi32>
    %select_n3A_158 = arith.select %gt3A_154, %broadcast_in_dim3A_157, %select_n3A_148 : vector<384x128xi1>, vector<384x128xi32>
    %exp3A_159 = math.exp %get3A_153 : vector<384x128xf32>
    %add3A_160 = arith.addf %add3A_150, %exp3A_159 : vector<384x128xf32>
    %exp3A_161 = math.exp %select_n3A_155 : vector<384x128xf32>
    %div3A = arith.divf %exp3A_161, %add3A_160 : vector<384x128xf32>
    %gt3A_162 = arith.constant 5.000000e-01 : f32
    %gt3A_163 = vector.broadcast %gt3A_162 : f32 to vector<384x128xf32>
    %gt3A_164 = arith.cmpf ogt, %div3A, %gt3A_163 : vector<384x128xf32>
    %convert_element_type3A = arith.extui %gt3A_164 : vector<384x128xi1> to vector<384x128xi32>
    %convert_element_type3A_165 = arith.sitofp %convert_element_type3A : vector<384x128xi32> to vector<384x128xf32>
    %mul3A = arith.constant 128 : i32
    %mul3A_166 = arith.muli %arg0, %mul3A : i32
    %jit3A_167 = arith.constant 384 : i32
    %eq3A = arith.constant 0 : i32
    %eq3A_168 = arith.cmpi eq, %jit3A_167, %eq3A : i32
    %jit3A_169 = arith.constant 1 : i32
    %select_n3A_170 = arith.select %eq3A_168, %jit3A_169, %jit3A_167 : i32
    %rem3A = arith.remsi %mul3A_166, %select_n3A_170 : i32
    %ne3A = arith.constant 0 : i32
    %ne3A_171 = arith.cmpi ne, %rem3A, %ne3A : i32
    %lt3A = arith.constant 0 : i32
    %lt3A_172 = arith.cmpi slt, %rem3A, %lt3A : i32
    %lt3A_173 = arith.constant 0 : i32
    %lt3A_174 = arith.cmpi slt, %select_n3A_170, %lt3A_173 : i32
    %ne3A_175 = arith.xori %lt3A_172, %lt3A_174 : i1
    %and3A = arith.andi %ne3A_175, %ne3A_171 : i1
    %add3A_176 = arith.addi %rem3A, %select_n3A_170 : i32
    %select_n3A_177 = arith.select %and3A, %add3A_176, %rem3A : i32
    %iota3A = tpu.iota {dimensions = array<i32: 1>} : vector<384x128xi32>
    %add3A_178 = vector.broadcast %select_n3A_177 : i32 to vector<384x128xi32>
    %add3A_179 = arith.addi %iota3A, %add3A_178 : vector<384x128xi32>
    %convert_element_type3A_180 = arith.sitofp %add3A_179 : vector<384x128xi32> to vector<384x128xf32>
    %iota3A_181 = tpu.iota {dimensions = array<i32: 0>} : vector<384x128xi32>
    %convert_element_type3A_182 = arith.sitofp %iota3A_181 : vector<384x128xi32> to vector<384x128xf32>
    %jit3A_183 = arith.constant 0.000000e+00 : f32
    %broadcast_in_dim3A_184 = vector.broadcast %jit3A_183 : f32 to vector<384x128xf32>
    %select_n3A_185 = arith.select %gt3A_164, %div3A, %broadcast_in_dim3A_184 : vector<384x128xi1>, vector<384x128xf32>
    %swap3A_186 = arith.constant 0 : index
    %swap3A_187 = arith.constant 0 : index
    %swap3A_188 = tpu.strided_load %arg8[%swap3A_186, %swap3A_187] {strides = array<i32: 3, 1>} : memref<1152x128xf32, #tpu.memory_space<vmem>>, vector<384x128xf32>
    tpu.strided_store %arg8[%swap3A_186, %swap3A_187], %select_n3A_185 {strides = array<i32: 3, 1>} : memref<1152x128xf32, #tpu.memory_space<vmem>>, vector<384x128xf32>
    %get3A_189 = arith.constant 0 : index
    %get3A_190 = arith.constant 0 : index
    %get3A_191 = tpu.strided_load %arg7[%get3A_189, %get3A_190] {strides = array<i32: 2, 1>} : memref<768x128xf32, #tpu.memory_space<vmem>>, vector<384x128xf32>
    %add3A_192 = arith.addf %convert_element_type3A_180, %get3A_191 : vector<384x128xf32>
    %mul3A_193 = arith.mulf %add3A_192, %convert_element_type3A_165 : vector<384x128xf32>
    %swap3A_194 = arith.constant 1 : index
    %swap3A_195 = arith.constant 0 : index
    %swap3A_196 = tpu.strided_load %arg8[%swap3A_194, %swap3A_195] {strides = array<i32: 3, 1>} : memref<1152x128xf32, #tpu.memory_space<vmem>>, vector<384x128xf32>
    tpu.strided_store %arg8[%swap3A_194, %swap3A_195], %mul3A_193 {strides = array<i32: 3, 1>} : memref<1152x128xf32, #tpu.memory_space<vmem>>, vector<384x128xf32>
    %get3A_197 = arith.constant 1 : index
    %get3A_198 = arith.constant 0 : index
    %get3A_199 = tpu.strided_load %arg7[%get3A_197, %get3A_198] {strides = array<i32: 2, 1>} : memref<768x128xf32, #tpu.memory_space<vmem>>, vector<384x128xf32>
    %add3A_200 = arith.addf %convert_element_type3A_182, %get3A_199 : vector<384x128xf32>
    %mul3A_201 = arith.mulf %add3A_200, %convert_element_type3A_165 : vector<384x128xf32>
    %swap3A_202 = arith.constant 2 : index
    %swap3A_203 = arith.constant 0 : index
    %swap3A_204 = tpu.strided_load %arg8[%swap3A_202, %swap3A_203] {strides = array<i32: 3, 1>} : memref<1152x128xf32, #tpu.memory_space<vmem>>, vector<384x128xf32>
    tpu.strided_store %arg8[%swap3A_202, %swap3A_203], %mul3A_201 {strides = array<i32: 3, 1>} : memref<1152x128xf32, #tpu.memory_space<vmem>>, vector<384x128xf32>
    %get3A_205 = arith.constant 0 : index
    %get3A_206 = arith.constant 0 : index
    %get3A_207 = vector.load %arg8[%get3A_205, %get3A_206] : memref<1152x128xf32, #tpu.memory_space<vmem>>, vector<1152x128xf32>
    %transpose3A_208 = tpu.transpose %get3A_207, [1, 0] : vector<1152x128xf32> -> vector<128x1152xf32>
    %swap3A_209 = arith.constant 0 : index
    %swap3A_210 = arith.constant 0 : index
    %swap3A_211 = vector.load %arg3[%swap3A_209, %swap3A_210] : memref<128x1152xf32, #tpu.memory_space<vmem>>, vector<128x1152xf32>
    tpu.vector_store %arg3[%swap3A_209, %swap3A_210], %transpose3A_208 {strides = array<i32>} : memref<128x1152xf32, #tpu.memory_space<vmem>>, vector<128x1152xf32>,
    %transpose3A_212 = tpu.transpose %select_n3A_158, [1, 0] : vector<384x128xi32> -> vector<128x384xi32>
    %swap3A_213 = arith.constant 0 : index
    %swap3A_214 = arith.constant 0 : index
    %swap3A_215 = vector.load %arg4[%swap3A_213, %swap3A_214] : memref<128x384xi32, #tpu.memory_space<vmem>>, vector<128x384xi32>
    tpu.vector_store %arg4[%swap3A_213, %swap3A_214], %transpose3A_212 {strides = array<i32>} : memref<128x384xi32, #tpu.memory_space<vmem>>, vector<128x384xi32>,
    %transpose3A_216 = tpu.transpose %gt3A_164, [1, 0] : vector<384x128xi1> -> vector<128x384xi1>
    %swap3A_217 = arith.constant 0 : index
    %swap3A_218 = arith.constant 0 : index
    %swap3A_219 = vector.load %arg5[%swap3A_217, %swap3A_218] : memref<128x384xi32, #tpu.memory_space<vmem>>, vector<128x384xi32>
    %swap3A_220 = arith.extui %transpose3A_216 : vector<128x384xi1> to vector<128x384xi32>
    %swap3A_221 = arith.constant dense<0> : vector<128x384xi32>
    %swap3A_222 = arith.cmpi ne, %swap3A_219, %swap3A_221 : vector<128x384xi32>
    tpu.vector_store %arg5[%swap3A_217, %swap3A_218], %swap3A_220 {strides = array<i32>} : memref<128x384xi32, #tpu.memory_space<vmem>>, vector<128x384xi32>,
    return
  }
  func.func @transform_0(%arg0: i32) -> (i32, i32) {
    %c0_i32 = arith.constant 0 : i32
    %c0_i32_0 = arith.constant 0 : i32
    return %arg0, %c0_i32 : i32, i32
  }
  func.func @transform_1(%arg0: i32) -> (i32, i32) {
    %c0_i32 = arith.constant 0 : i32
    %c0_i32_0 = arith.constant 0 : i32
    return %arg0, %c0_i32 : i32, i32
  }
  func.func @transform_2(%arg0: i32) -> (i32, i32) {
    %c0_i32 = arith.constant 0 : i32
    %c0_i32_0 = arith.constant 0 : i32
    return %arg0, %c0_i32 : i32, i32
  }
  func.func @transform_3(%arg0: i32) -> (i32, i32) {
    %c0_i32 = arith.constant 0 : i32
    %c0_i32_0 = arith.constant 0 : i32
    return %arg0, %c0_i32 : i32, i32
  }
  func.func @transform_4(%arg0: i32) -> (i32, i32) {
    %c0_i32 = arith.constant 0 : i32
    %c0_i32_0 = arith.constant 0 : i32
    return %arg0, %c0_i32 : i32, i32
  }
}

</mosaic_0001>

<sc_bundles>
// kernel: sparse-core-data-format-call.cloned.1.call-start
scs
called_computation_lowered:
.L_overlay_start_0:
0x0: {  	s1 =	sld [smem:$0x3FD9]  }
0x1: {  	s2 =	sld [smem:$0x3FFE];
	_ =	sdelay $0x1  }
0x2: {  	s3 =	srdreg.scid  }
0x3: {  	s0 =	sand.u32 $0x1, s3  }
0x4: {  	s17 =	sshll.u32 s0, $0xA;
	s1 =	sadd.s32 s2, s1  }
0x5: {  	s1 =	sadd.s32 s1, s17  }
0x6: {  	[smem:$0x3FC6] =	sst s1  }
0x7: {  	_ = 	snop  }
0x8: {  	(tm) =	ssettm $0x1  }
0x9: {  	s18 =	sld [smem:$0x3FFB];
	_ =	sdelay $0x3  }
0xa: {  	_ =	strace s18  }
0xb: {  	s1 =	sld [smem:$0x3FFC];
	_ =	sdelay $0x3  }
0xc: {  	_ =	strace s1  }
0xd: {  	s1 =	sld [smem:$0x3FFD];
	_ =	sdelay $0x3  }
0xe: {  	_ =	strace s1  }
0xf: {  	_ =	strace $0x8FFFFFFF  }
0x10: {  	s19 =	sld [smem:$0x3FDB];
	_ =	sdelay $0x1  }
0x11: {  	s20 =	simm.s32 $_scs_section_size  }
0x12: {  	s4 =	simm.s32 $_size__tile_overlayer_lowered;
	s5 =	simm.s32 $_tile_overlayer_lowered  }
0x13: {  	s23 =	simm.s32 $0x1BFF;
	s22 =	sshll.u32 s5, $0x1;
	s1 =	sadd.s32 s20, s19  }
0x14: {  	s6 =	simm.s32 $0x0;
	s21 =	sshll.u32 s4, $0x1;
	s4 =	sadd.s32 s22, s1  }
0x15: {  	[timem:s6], [sflag:s23] =	dma.local [hbm:s4], s21  }
0x16: {  	_ =	swait.ge [sflag:s23], s21  }
0x17: {  	s2 =	ssub.s32 $0x0, s21;
	[sflag:s23] =	ssyncset.done $0x0  }
0x18: {  	[sflag:s23] =	ssyncadd.s32 s2;
	_ =	sdelay $0x1  }
0x19: {  	s24 =	simm.s32 $0x1B8B  }
0x1a: {  	_ =	swait.ge [sflag:s24], $0x1  }
0x1b: {  	[sflag:s24] =	ssyncset.done $0x0  }
0x1c: {  	s26 =	simm.s32 $0x1B8E;
	s25 =	sld [smem:$0x3FFE];
	[sflag:s24] =	ssyncadd.s32 $0xFFFFFFFF  }
0x1d: {  	s27 =	simm.s32 $execute0_lowered;
	[smem:$0x3FD2] =	sst s26  }
0x1e: {  	s4 =	sshll.u32 s27, $0x1;
	_ =	strace $0x80000046;
	[dreg:$0x1] =	wrdreg $0xFFFFFFFF  }
0x1f: {  	s28 =	simm.s32 $_size_execute0_lowered;
	s1 =	sadd.s32 s1, s4;
	[dreg:$0x0] =	wrdreg $0x0  }
0x20: {  	s4 =	sshll.u32 s28, $0x1;
	[dreg:$0x2] =	wrdreg s1  }
0x21: {  	[dreg:$0x3] =	wrdreg s4  }
0x22: {  	[dreg:$0x4] =	wrdreg $0xC0  }
0x23: {  	_ =	task [dreg:s6], $0x5FFFF  }
0x24: {  	[dreg:$0x1] =	wrdreg $0xFFFFFFFF  }
0x25: {  	[dreg:$0x0] =	wrdreg $0x60  }
0x26: {  	[dreg:$0x2] =	wrdreg s25  }
0x27: {  	[dreg:$0x3] =	wrdreg $0x9  }
0x28: {  	_ =	task.clear_ibuf [dreg:s6], $0x4FFFF;
	_ =	strace $0x90000046  }
0x29: {  	s29 =	simm.s32 $0x9;
	_ =	strace $0x80000048  }
0x2a: {  	_ =	swait.ge [sflag:s29], $0x1  }
0x2b: {  	[sflag:s29] =	ssyncadd.s32 $0xFFFFFFFF  }
0x2c: {  	_ =	strace $0x90000048  }
0x2d: {  	_ =	sfence  }
0x2e: {  	s30 =	sld [smem:$0x0];
	_ =	sdelay $0x2  }
0x2f: {  	s31 =	sshll.u32 s3, $0xD;
	s3 =	sshrl.u32 s3, $0x2  }
0x30: {  	s2 =	sand.u32 $0x4000, s31;
	s1 =	sadd.s32 s3, s30  }
0x31: {  	s0 =	sor.u32 s2, s0;
	s1 =	sshll.u32 s1, $0x11  }
0x32: {  	s0 =	sor.u32 s1, s0  }
0x33: {  	s0 =	sadd.s32 $0x8F2B, s0  }
0x34: {  	[sflag:s0] =	ssyncadd.remote.s32 $0x1  }
0x35: {  	_ =	sfence.sel $0xFFFF  }
0x36: {  	[dreg:$0x0] =	wrdreg $0xFFFFFFFF;
	(pc) =	sbr.abs _section_cstart, $3  }
0x37: {  	[dreg:$0x1] =	wrdreg $0xFFFFFFFF  }
0x38: {  	_ =	task.clear_ibuf [dreg:s6], $0x2FFFF;
	_ =	strace $0x9FFFFFFF  }
0x39: {  	(tm) =	ssettm $0x7FFFFFFF  }
tec
execute0_lowered:
.L_overlay_start_1:
0x0: {  	(tag) =	ssettag $0x1  }
0x1: {  	s0 =	srdreg.scid  }
0x2: {  	s6 =	rddreg [dreg:$0x0];
	s1 =	sshll.u32 s0, $0x4  }
0x3: {  	s4 =	simm.s32 $0x1;
	s0 =	stileid.u32;
	s1 =	sand.u32 $0x10, s1  }
0x4: {  	s7 =	simm.s32 $0x2;
	s16 =	simm.s32 $0x0;
	s1 =	sor.u32 s0, s1  }
0x5: {  	s8 =	simm.s32 $0xC00;
	s9 =	simm.s32 $0x0;
	s2 =	sshll.u32 s1, $0x1  }
0x6: {  	s15 =	simm.s32 $0x0;
	s18 =	simm.s32 $0x0;
	s3 =	ssub.s32 $0x300, s2  }
0x7: {  	s17 =	simm.s32 $0x0;
	s10 =	simm.s32 $0x0;
	s31 =	sand.u32 $0x3E, s3  }
0x8: {  	s11 =	simm.s32 $0x0;
	s12 =	simm.s32 $0x0;
	p0 =	sne.s32 s31, $0x0  }
.Ltmp0:
0x9: {  	s3 =	sshrl.u32 s3, $0x6;
	s4 =	simm.s32 @!p0 $0x0;
	(pc) =	sbr.rel .LBB1_1-.Ltmp0, $4  }
0xa: {  	s14 =	simm.s32 $0x0;
	s1 =	rddreg [dreg:$0x1];
	s5 =	sadd.s32 s4, s3  }
0xb: {  	_ =	strace $0x80000047;
	s4 =	simm.s32 $0x1;
	s5 =	smul.u32 $0x3, s5  }
0xc: {  	s13 =	smov.u32 s2;
	s3 =	sadd.s32 $0x800, s6;
	[sflag:s4] =	ssyncpa.u1 $0x0  }
0xd: {  	s6 =	sadd.s32 $0x240800, s6;
	[sflag:s7] =	ssyncpa.u1 $0x0;
	s7 =	sadd.s32 $0x1, s5  }
.LBB1_9:
0xe: {  	s19 =	sadd.s32 $0x80, s10  }
0xf: {  	s15 =	sadd.s32 $0x8, s11;
	s20 =	smov.u32 s11;
	p1 =	sgt.s32 s19, $0x17F  }
0x10: {  	s20 =	smov.u32 @p1 s15  }
0x11: {  	s21 =	smov.u32 s12;
	s15 =	sadd.s32 $0x8, s12;
	p2 =	sgt.s32 s20, $0x7  }
0x12: {  	s21 =	smov.u32 @p2 s15  }
0x13: {  	s22 =	smov.u32 s13;
	s15 =	sadd.s32 $0x40, s13;
	p3 =	sgt.s32 s21, $0x7  }
0x14: {  	p0 =	slt.u32 s14, $0x2;
	s22 =	smov.u32 @p3 s15  }
0x15: {  	s16 =	smov.u32 s10;
	s19 =	simm.s32 @p1 $0x0;
	p1 =	sgt.s32 s22, $0x2FF  }
0x16: {  	s23 =	simm.s32 @!p0 $0x2;
	s22 =	smov.u32 @p1 s2;
	p1 =	sne.s32 s14, s7  }
.Ltmp1:
0x17: {  	s18 =	smov.u32 s12;
	_ =	swait.ge @!p0 [sflag:s23], $0x4000;
	(pc) =	sbr.rel @!p1 .LBB1_10-.Ltmp1, $4  }
0x18: {  	s17 =	smov.u32 s13;
	s9 =	sadd.s32 $0x4000, s9;
	[sflag:s23] =	ssyncset.done @!p0 $0x0  }
0x19: {  	s10 =	smov.u32 s19;
	s20 =	simm.s32 @p2 $0x0;
	[sflag:s23] =	ssyncadd.s32 @!p0 $0xFFFFC000  }
0x1a: {  	s21 =	simm.s32 @p3 $0x0;
	s15 =	smov.u32 s11;
	s11 =	smov.u32 s20  }
0x1b: {  	s12 =	smov.u32 s21;
	s14 =	sadd.s32 $0x1, s14;
	s13 =	smov.u32 s22  }
.LBB1_1:
0x1c: {  	p0 =	sge.u32 s14, s5  }
0x1d: {  	s19 =	sshrl.u32 @!p0 s11, $0x3  }
0x1e: {  	s20 =	sshll.u32 @!p0 s10, $0x3;
	s19 =	smul.u32 @!p0 $0xC00, s19  }
0x1f: {  	s21 =	sshll.u32 @!p0 s11, $0x7;
	s20 =	sand.u32 @!p0 $0xFFFFFC00, s20  }
0x20: {  	s19 =	sadd.s32 @!p0 s19, s20;
	s20 =	sand.u32 @!p0 $0x380, s21  }
0x21: {  	s21 =	sand.u32 @!p0 $0x7F, s10;
	s19 =	sor.u32 @!p0 s20, s19  }
0x22: {  	s20 =	sor.u32 @!p0 s21, s19  }
0x23: {  	s21 =	smulhi.u32 @!p0 $0xAAAAAAAB, s20  }
0x24: {  	s19 =	smulhi.u32 @!p0 $0xAAAAAAAB, s19  }
0x25: {  	s31 =	sadd.s32 $0xFFFFFFFF, s14;
	s23 =	smul.u32 @!p0 $0xC00, s13;
	s21 =	sshrl.u32 @!p0 s21, $0x8  }
0x26: {  	s22 =	sxor.u32 @!p0 $0xFFFFFFFF, s14;
	s19 =	sshrl.u32 @!p0 s19, $0x8;
	s21 =	smul.u32 @!p0 $0x180, s21  }
0x27: {  	s24 =	smul.u32 @!p0 $0x180, s12;
	s22 =	sshll.u32 @!p0 s22, $0xE;
	s19 =	sand.u32 @!p0 $0x7, s19  }
0x28: {  	s19 =	smul.u32 @!p0 $0x30, s19;
	s20 =	ssub.s32 @!p0 s20, s21;
	s21 =	sadd.s32 @!p0 s3, s23  }
0x29: {  	s22 =	sand.u32 @!p0 $0x4000, s22;
	s21 =	sadd.s32 @!p0 s24, s21;
	s23 =	sand.u32 @!p0 $0x7, s20  }
0x2a: {  	s20 =	sshrl.u32 @!p0 s20, $0x3;
	s19 =	sadd.s32 @!p0 s19, s21;
	s21 =	sshll.u32 @!p0 s23, $0x12  }
0x2b: {  	s19 =	sadd.s32 @!p0 s20, s19;
	s20 =	sor.u32 @!p0 $0x400, s21;
	s21 =	simm.s32 @!p0 $0xC00  }
0x2c: {  	[tilespmem:s22], [sflag:$0x1] =	stream.strided.gather @!p0 [hbm4b:s19+s20], $0x4000, s21, s20, $0x38;
	[tilespmem:$0x10000] =	vst v63  }
0x2d: {  	p0 =	sge.u32 s31, s5  }
.Ltmp2:
0x2e: {  	_ = 	snop;
	(pc) =	sbr.rel @p0 .LBB1_9-.Ltmp2, $1  }
0x2f: {  	_ =	sdelay $0x3  }
0x30: {  	s19 =	sshll.u32 s9, $0x2  }
0x31: {  	_ =	swait.ge [sflag:s4], $0x4000;
	s20 =	sshll.u32 s14, $0xE;
	s22 =	simm.s32 $0x0  }
0x32: {  	p1 =	por $0x1, $0x1;
	s19 =	sand.u32 $0x10000, s19;
	[sflag:s4] =	ssyncset.done $0x0  }
0x33: {  	s20 =	sand.u32 $0x4000, s20;
	s21 =	sshrl.u32 s19, $0x2;
	[sflag:s4] =	ssyncadd.s32 $0xFFFFC000  }
0x34: {  	s19 =	sor.u32 $0x8000, s20;
	s20 =	sadd.s32 $0x8040, s21;
	s21 =	sadd.s32 $0x40, s21  }
.LBB1_3:
0x35: {  	s22 =	sshll.u32 s22, $0x2  }
0x36: {  	p0 =	por p1, p1;
	s23 =	sshra.s32 s22, $0x2  }
0x37: {  	s24 =	simm.s32 $0x0;
	s22 =	sadd.s32 s23, s20;
	s23 =	sadd.s32 s23, s21  }
.LBB1_4:
0x38: {  	v0 =	vmov s23;
	_ =	sdelay $0x3  }
0x39: {  	s26 =	simm.s32 $0x0  }
0x3a: {  	v6 =	vld.idx.msk [tilespmem:v0+s26+$0x30 ss:$0x1], $0xffff  }
0x3b: {  	v7 =	vld.idx.msk [tilespmem:v0+s26+$0xFFFFFFC0 ss:$0x1], $0xffff  }
0x3c: {  	v5 =	vld.idx.msk [tilespmem:v0+s26+$0xFFFFFFD0 ss:$0x1], $0xffff  }
0x3d: {  	v4 =	vld.idx.msk [tilespmem:v0+s26+$0xFFFFFFE0 ss:$0x1], $0xffff  }
0x3e: {  	v3 =	vld.idx.msk [tilespmem:v0+s26+$0xFFFFFFF0 ss:$0x1], $0xffff  }
0x3f: {  	v1 =	vld.idx.msk [tilespmem:v0+s26+$0x0 ss:$0x1], $0xffff  }
0x40: {  	v2 =	vld.idx.msk [tilespmem:v0+s26+$0x10 ss:$0x1], $0xffff;
	[tilespmem:s22+$0x30] =	vst v6  }
0x41: {  	s25 =	simm.s32 $0x80;
	s27 =	simm.s32 $0x400;
	[tilespmem:s22+$0xFFFFFFC0] =	vst v7;
	v6 =	vld.idx.msk [tilespmem:v0+s26+$0x20 ss:$0x1], $0xffff;
	s26 =	smov.u32 s22  }
.LBB1_5:
0x42: {  	p1 =	sne.s32 s27, $0xE00;
	v7 =	vld.idx.msk [tilespmem:v0+s25+$0x30 ss:$0x1], $0xffff;
	[tilespmem:s26+$0xFFFFFFD0] =	vst v5  }
0x43: {  	v8 =	vld.idx.msk [tilespmem:v0+s25+$0xFFFFFFC0 ss:$0x1], $0xffff;
	[tilespmem:s26+$0xFFFFFFE0] =	vst v4  }
0x44: {  	v5 =	vld.idx.msk [tilespmem:v0+s25+$0xFFFFFFD0 ss:$0x1], $0xffff;
	[tilespmem:s26+$0xFFFFFFF0] =	vst v3  }
.Ltmp3:
0x45: {  	v4 =	vld.idx.msk [tilespmem:v0+s25+$0xFFFFFFE0 ss:$0x1], $0xffff;
	[tilespmem:s26+$0x0] =	vst v1;
	(pc) =	sbr.rel @p1 .LBB1_5-.Ltmp3, $4  }
0x46: {  	v3 =	vld.idx.msk [tilespmem:v0+s25+$0xFFFFFFF0 ss:$0x1], $0xffff;
	[tilespmem:s26+$0x10] =	vst v2  }
0x47: {  	v1 =	vld.idx.msk [tilespmem:v0+s25+$0x0 ss:$0x1], $0xffff;
	[tilespmem:s26+$0x20] =	vst v6;
	s26 =	sadd.s32 $0x400, s26  }
0x48: {  	v2 =	vld.idx.msk [tilespmem:v0+s25+$0x10 ss:$0x1], $0xffff;
	[tilespmem:s26+$0x30] =	vst v7  }
0x49: {  	[tilespmem:s26+$0xFFFFFFC0] =	vst v8;
	v6 =	vld.idx.msk [tilespmem:v0+s25+$0x20 ss:$0x1], $0xffff;
	s25 =	sshra.s32 s27, $0x2;
	s27 =	sadd.s32 $0x200, s27  }
0x4a: {  	_ =	sdelay $0x2  }
0x4b: {  	[tilespmem:s26+$0xFFFFFFD0] =	vst v5  }
0x4c: {  	v56 =	vld.idx.msk [tilespmem:v0+s25+$0x30 ss:$0x1], $0xffff;
	[tilespmem:s26+$0xFFFFFFE0] =	vst v4  }
0x4d: {  	v57 =	vld.idx.msk [tilespmem:v0+s25+$0xFFFFFFC0 ss:$0x1], $0xffff;
	[tilespmem:s26+$0xFFFFFFF0] =	vst v3  }
0x4e: {  	v58 =	vld.idx.msk [tilespmem:v0+s25+$0xFFFFFFD0 ss:$0x1], $0xffff;
	[tilespmem:s26+$0x0] =	vst v1  }
0x4f: {  	v59 =	vld.idx.msk [tilespmem:v0+s25+$0xFFFFFFE0 ss:$0x1], $0xffff;
	[tilespmem:s26+$0x10] =	vst v2  }
0x50: {  	v60 =	vld.idx.msk [tilespmem:v0+s25+$0xFFFFFFF0 ss:$0x1], $0xffff;
	s31 =	sadd.s32 $0x400, s26;
	[tilespmem:s26+$0x20] =	vst v6  }
0x51: {  	v61 =	vld.idx.msk [tilespmem:v0+s25+$0x0 ss:$0x1], $0xffff;
	[tilespmem:s31+$0x30] =	vst v56  }
0x52: {  	v62 =	vld.idx.msk [tilespmem:v0+s25+$0x10 ss:$0x1], $0xffff;
	s24 =	sadd.s32 $0x1, s24;
	[tilespmem:s31+$0xFFFFFFC0] =	vst v57  }
0x53: {  	v63 =	vld.idx.msk [tilespmem:v0+s25+$0x20 ss:$0x1], $0xffff;
	p1 =	sne.s32 s24, $0x8;
	[tilespmem:s31+$0xFFFFFFD0] =	vst v58  }
.Ltmp4:
0x54: {  	[tilespmem:s31+$0xFFFFFFE0] =	vst v59;
	(pc) =	sbr.rel @p1 .LBB1_4-.Ltmp4, $4  }
0x55: {  	[tilespmem:s31+$0xFFFFFFF0] =	vst v60  }
0x56: {  	[tilespmem:s31+$0x0] =	vst v61  }
0x57: {  	[tilespmem:s31+$0x10] =	vst v62  }
0x58: {  	s22 =	sadd.s32 $0x80, s22;
	s23 =	sadd.s32 $0x400, s23;
	[tilespmem:s31+$0x20] =	vst v63  }
.Ltmp5:
0x59: {  	(pc) =	sbr.rel @p0 .LBB1_3-.Ltmp5, $2  }
0x5a: {  	_ =	sdelay $0x2  }
0x5b: {  	s22 =	simm.s32 $0x2000;
	p1 =	por $0x0, $0x0  }
0x5c: {  	s20 =	sshrl.u32 s18, $0x3  }
0x5d: {  	s21 =	sshll.u32 s16, $0x3;
	s20 =	smul.u32 $0xC00, s20  }
0x5e: {  	s27 =	sshll.u32 s18, $0x7;
	s21 =	sand.u32 $0xFFFFFC00, s21  }
0x5f: {  	s18 =	sand.u32 $0x380, s27;
	s20 =	sadd.s32 s20, s21  }
0x60: {  	s28 =	sand.u32 $0x7F, s16;
	s18 =	sor.u32 s18, s20  }
0x61: {  	s16 =	sor.u32 s28, s18;
	s18 =	smulhi.u32 $0xAAAAAAAB, s18  }
0x62: {  	s29 =	smulhi.u32 $0xAAAAAAAB, s16  }
0x63: {  	s17 =	smul.u32 $0xC00, s17  }
0x64: {  	s15 =	smul.u32 $0x180, s15;
	s18 =	sshrl.u32 s18, $0x8;
	s20 =	sshrl.u32 s29, $0x8  }
0x65: {  	s18 =	sand.u32 $0x7, s18;
	s20 =	smul.u32 $0x180, s20  }
0x66: {  	s18 =	smul.u32 $0x30, s18  }
.Ltmp6:
0x67: {  	s17 =	sadd.s32 s6, s17;
	s16 =	ssub.s32 s16, s20;
	(pc) =	sbr.rel .LBB1_9-.Ltmp6, $4  }
0x68: {  	s15 =	sadd.s32 s15, s17;
	s30 =	sand.u32 $0x7, s16  }
0x69: {  	s15 =	sadd.s32 s18, s15;
	s16 =	sshrl.u32 s16, $0x3;
	s17 =	sshll.u32 s30, $0x12  }
0x6a: {  	s15 =	sadd.s32 s16, s15;
	s31 =	sor.u32 $0x400, s17  }
0x6b: {  	[hbm4b:s15+s31] =	stream.strided.scatter [tilespmem:s19], [sflag:$0x2], $0x4000, s8, s31, $0x38;
	[tilespmem:$0x10000] =	vst v63  }
.LBB1_10:
0x6c: {  	_ =	sfence.sel $0x180000  }
0x6d: {  	s2 =	simm.s32 $0x1;
	[bflag:$0x0] =	sbarrier.arrive $0xFFFF  }
0x6e: {  	s31 =	simm.s32 $0x2;
	[sflag:s2] =	ssyncpa.u1 $0x1  }
0x6f: {  	[sflag:s31] =	ssyncpa.u1 $0x1  }
0x70: {  	p0 =	sne.s32 s0, $0x0;
	_ =	strace $0x90000047  }
0x71: {  	s0 =	sadd.s32 @!p0 $0x100000, s1;
	[bflag:$0x2] =	sbarrier.arrive $0xFFFF  }
0x72: {  	[sflag:s0] =	ssyncadd.tile.s32 @!p0 $0x1;
	_ =	shalt  }
.Lfunc_end1:
_tile_overlayer_lowered:
.L_overlay_start_2:
0x73: {  	(tag) =	ssettag $0x2  }
0x74: {  	s0 =	rddreg [dreg:$0x0];
	s2 =	stileid.u32  }
0x75: {  	s1 =	rddreg [dreg:$0x1];
	p0 =	sne.s32 s2, $0x0  }
0x76: {  	s3 =	rddreg [dreg:$0x2];
	[bflag:$0x3] =	sbarrier.arrive $0xFFFF;
	s2 =	simm.s32 @!p0 $0x1C01  }
0x77: {  	[timem:s3], [sflag:s2] =	dma.local @!p0 [hbm:s0], s1  }
0x78: {  	s0 =	simm.s32 @!p0 $0x1  }
0x79: {  	_ =	swait.ge @!p0 [sflag:s0], s1  }
0x7a: {  	s1 =	ssub.s32 @!p0 $0x0, s1;
	[sflag:s0] =	ssyncset.done @!p0 $0x0  }
0x7b: {  	[sflag:s0] =	ssyncadd.s32 @!p0 s1  }
0x7c: {  	[bflag:$0x3] =	sbarrier.arrive $0xFFFF  }
0x7d: {  	_ =	shalt  }

</sc_bundles>
